<compile_context>
chip_gen: v7x
topology: tpu7x:2x2x1
jax: 0.10.2.dev20260603
libtpu: 0.0.44.dev20260713+nightly
codegen_flags: <defaults>
</compile_context>

<pallas_src>
import functools

import jax
import jax.numpy as jnp
from jax import lax
from jax.experimental import pallas as pl
from jax.experimental.pallas import tpu as pltpu
from jax.experimental.pallas import tpu_sc as plsc

_LANES = 16


def _build_sc_kernel(B, S, D):
    mesh = plsc.VectorSubcoreMesh(
        core_axis_name="c", subcore_axis_name="s", num_cores=1
    )
    num_cores = 1

    @functools.partial(
        pl.kernel,
        mesh=mesh,
        out_type=jax.ShapeDtypeStruct((B, D), jnp.float32),
        scratch_types=[
            pltpu.VMEM((S,), jnp.float32),
            pltpu.VMEM((1, D), jnp.float32),
            pltpu.SemaphoreType.DMA,
            pltpu.SemaphoreType.DMA,
        ],
    )
    def k(do_hbm, mask_hbm, out_hbm, mask_v, row_v, sem0, sem1):
        w = lax.axis_index("s") * num_cores + lax.axis_index("c")

        @pl.when(w < B)
        def _():
            half = S // 2
            cp0 = pltpu.async_copy(
                mask_hbm.at[w, pl.ds(0, half)],
                mask_v.at[pl.ds(0, half)],
                sem0,
            )
            cp1 = pltpu.async_copy(
                mask_hbm.at[w, pl.ds(half, half)],
                mask_v.at[pl.ds(half, half)],
                sem1,
            )

            unroll = 16
            span = unroll * _LANES

            def body(i, acc):
                base = i * span
                for j in range(unroll):
                    acc = acc + mask_v[pl.ds(base + j * _LANES, _LANES)]
                return acc

            cp0.wait()
            acc = lax.fori_loop(
                0, half // span, body, jnp.zeros((_LANES,), jnp.float32)
            )
            cp1.wait()

            def body2(i, acc):
                base = half + i * span
                for j in range(unroll):
                    acc = acc + mask_v[pl.ds(base + j * _LANES, _LANES)]
                return acc

            acc = lax.fori_loop(0, half // span, body2, acc)
            acc_i = acc.astype(jnp.int32)
            lanes = [acc_i[j] for j in range(_LANES)]
            while len(lanes) > 1:
                lanes = [
                    lanes[j] + lanes[j + 1] for j in range(0, len(lanes), 2)
                ]
            total = lanes[0]
            idx = jnp.maximum(total - 1, 0)
            row = w * S + idx
            pltpu.sync_copy(do_hbm.at[pl.ds(row, 1)], row_v)
            pltpu.sync_copy(row_v, out_hbm.at[pl.ds(w, 1)])

    return k


@jax.jit
def kernel(decoder_outputs, attention_mask):
    B, S, D = decoder_outputs.shape
    do2d = decoder_outputs.reshape(B * S, D)
    k = _build_sc_kernel(B, S, D)
    return k(do2d, attention_mask.astype(jnp.float32))

# --- scband reference (transcript-rebuilt; emitter-appended) ---
"""Pipeline reference for scband-extract-last-valid-token-8967891714568 (READ-ONLY COPY).

The authoritative reference and input builder live on the scoring server;
editing this copy changes nothing except your own understanding.
"""

import jax, jax.numpy as jnp
import numpy as np

B, S, D = 4, 8192, 2048

def setup_inputs(seed: int = 0) -> dict:
    key = jax.random.key(seed)
    k1, k2 = jax.random.split(key)
    decoder_outputs = jax.random.normal(k1, (B, S, D), dtype=jnp.float32)
    attention_mask = jnp.ones((B, S), dtype=jnp.float32)
    return {"decoder_outputs": decoder_outputs, "attention_mask": attention_mask}

def reference(decoder_outputs, attention_mask):
    # seq_lengths = sum(mask) - 1, clamped at 0
    seq_lengths = jnp.sum(attention_mask, axis=1).astype(jnp.int32) - 1
    seq_lengths = jnp.maximum(seq_lengths, 0)
    batch_indices = jnp.arange(decoder_outputs.shape[0])
    # tf.gather_nd with [batch_idx, seq_idx] pairs == advanced indexing
    last_output = decoder_outputs[batch_indices, seq_lengths]
    return last_output

if __name__ == "__main__":
    import jax
    _d = setup_inputs()
    print(jax.jit(kernel)(*tuple(_d.values())))

</pallas_src>

<mosaic_0001>
#map = affine_map<(d0, d1) -> (0, 0)>
module attributes {stable_mosaic.version = 14 : i64} {
  func.func @k(%arg0: i32, %arg1: i32, %arg2: memref<32768x2048xf32, #tpu.memory_space<hbm>>, %arg3: memref<4x8192xf32, #tpu.memory_space<hbm>>, %arg4: memref<4x2048xf32, #tpu.memory_space<hbm>>, %arg5: memref<8192xf32, #tpu.memory_space<vmem>>, %arg6: memref<1x2048xf32, #tpu.memory_space<vmem>>, %arg7: memref<!tpu.dma_semaphore, #tpu.memory_space<semaphore_mem>>, %arg8: memref<!tpu.dma_semaphore, #tpu.memory_space<semaphore_mem>>) attributes {dimension_semantics = [#tpu.dimension_semantics<core_parallel>, #tpu.dimension_semantics<subcore_parallel>], iteration_bounds = array<i64: 1, 16>, scalar_prefetch = 0 : i64, scratch_operands = 4 : i64, tpu.core_type = #tpu.core_type<sc_vector_subcore>, window_params = [{transform_indices = #map}, {transform_indices = #map}, {transform_indices = #map}]} {
    %mul3A = arith.constant 1 : i32
    %mul3A_0 = arith.muli %arg1, %mul3A : i32
    %add3A = arith.addi %mul3A_0, %arg0 : i32
    %lt3A = arith.constant 4 : i32
    %lt3A_1 = arith.cmpi slt, %add3A, %lt3A : i32
    %convert_element_type3A = arith.extui %lt3A_1 : i1 to i32
    %cond3A = arith.constant 0 : i32
    %cond3A_2 = arith.cmpi ne, %convert_element_type3A, %cond3A : i32
    scf.if %cond3A_2 {
      %dma_start3A = arith.constant 0 : i32
      %dma_start3A_3 = tpu.memref_slice %arg5[%dma_start3A] : memref<8192xf32, #tpu.memory_space<vmem>> -> memref<4096xf32, #tpu.memory_space<vmem>>
      %dma_start3A_4 = arith.constant 0 : i32
      %dma_start3A_5 = tpu.memref_slice %arg3[%add3A, %dma_start3A_4] : memref<4x8192xf32, #tpu.memory_space<hbm>> -> memref<1x4096xf32, #tpu.memory_space<hbm>>
      %dma_start3A_6 = tpu.memref_squeeze %dma_start3A_5 : memref<1x4096xf32, #tpu.memory_space<hbm>> -> memref<4096xf32, #tpu.memory_space<hbm>>
      %dma_start3A_7 = arith.constant 0 : i32
      %dma_start3A_8 = tpu.memref_slice %arg5[%dma_start3A_7] : memref<8192xf32, #tpu.memory_space<vmem>> -> memref<4096xf32, #tpu.memory_space<vmem>>
      %dma_start3A_9 = arith.constant 0 : i32
      %dma_start3A_10 = tpu.memref_slice %arg3[%add3A, %dma_start3A_9] : memref<4x8192xf32, #tpu.memory_space<hbm>> -> memref<1x4096xf32, #tpu.memory_space<hbm>>
      %dma_start3A_11 = tpu.memref_squeeze %dma_start3A_10 : memref<1x4096xf32, #tpu.memory_space<hbm>> -> memref<4096xf32, #tpu.memory_space<hbm>>
      tpu.enqueue_dma source(%dma_start3A_11 : memref<4096xf32, #tpu.memory_space<hbm>>) target(%dma_start3A_8 : memref<4096xf32, #tpu.memory_space<vmem>>) target_semaphore(%arg7 : memref<!tpu.dma_semaphore, #tpu.memory_space<semaphore_mem>>)
      %dma_start3A_12 = arith.constant 4096 : i32
      %dma_start3A_13 = tpu.memref_slice %arg5[%dma_start3A_12] : memref<8192xf32, #tpu.memory_space<vmem>> -> memref<4096xf32, #tpu.memory_space<vmem>>
      %dma_start3A_14 = arith.constant 4096 : i32
      %dma_start3A_15 = tpu.memref_slice %arg3[%add3A, %dma_start3A_14] : memref<4x8192xf32, #tpu.memory_space<hbm>> -> memref<1x4096xf32, #tpu.memory_space<hbm>>
      %dma_start3A_16 = tpu.memref_squeeze %dma_start3A_15 : memref<1x4096xf32, #tpu.memory_space<hbm>> -> memref<4096xf32, #tpu.memory_space<hbm>>
      %dma_start3A_17 = arith.constant 4096 : i32
      %dma_start3A_18 = tpu.memref_slice %arg5[%dma_start3A_17] : memref<8192xf32, #tpu.memory_space<vmem>> -> memref<4096xf32, #tpu.memory_space<vmem>>
      %dma_start3A_19 = arith.constant 4096 : i32
      %dma_start3A_20 = tpu.memref_slice %arg3[%add3A, %dma_start3A_19] : memref<4x8192xf32, #tpu.memory_space<hbm>> -> memref<1x4096xf32, #tpu.memory_space<hbm>>
      %dma_start3A_21 = tpu.memref_squeeze %dma_start3A_20 : memref<1x4096xf32, #tpu.memory_space<hbm>> -> memref<4096xf32, #tpu.memory_space<hbm>>
      tpu.enqueue_dma source(%dma_start3A_21 : memref<4096xf32, #tpu.memory_space<hbm>>) target(%dma_start3A_18 : memref<4096xf32, #tpu.memory_space<vmem>>) target_semaphore(%arg8 : memref<!tpu.dma_semaphore, #tpu.memory_space<semaphore_mem>>)
      %dma_wait3A = arith.constant 0 : i32
      %dma_wait3A_22 = tpu.memref_slice %arg5[%dma_wait3A] : memref<8192xf32, #tpu.memory_space<vmem>> -> memref<4096xf32, #tpu.memory_space<vmem>>
      %dma_wait3A_23 = arith.constant 0 : i32
      %dma_wait3A_24 = tpu.memref_slice %arg3[%add3A, %dma_wait3A_23] : memref<4x8192xf32, #tpu.memory_space<hbm>> -> memref<1x4096xf32, #tpu.memory_space<hbm>>
      %dma_wait3A_25 = tpu.memref_squeeze %dma_wait3A_24 : memref<1x4096xf32, #tpu.memory_space<hbm>> -> memref<4096xf32, #tpu.memory_space<hbm>>
      %dma_wait3A_26 = arith.constant 0 : i32
      %dma_wait3A_27 = tpu.memref_slice %arg5[%dma_wait3A_26] : memref<8192xf32, #tpu.memory_space<vmem>> -> memref<4096xf32, #tpu.memory_space<vmem>>
      %dma_wait3A_28 = arith.constant 0 : i32
      %dma_wait3A_29 = tpu.memref_slice %arg3[%add3A, %dma_wait3A_28] : memref<4x8192xf32, #tpu.memory_space<hbm>> -> memref<1x4096xf32, #tpu.memory_space<hbm>>
      %dma_wait3A_30 = tpu.memref_squeeze %dma_wait3A_29 : memref<1x4096xf32, #tpu.memory_space<hbm>> -> memref<4096xf32, #tpu.memory_space<hbm>>
      tpu.wait_dma2 semaphore(%arg7 : memref<!tpu.dma_semaphore, #tpu.memory_space<semaphore_mem>>) src(%dma_wait3A_30 : memref<4096xf32, #tpu.memory_space<hbm>>) dst(%dma_wait3A_27 : memref<4096xf32, #tpu.memory_space<vmem>>)
      %broadcast_in_dim3A = arith.constant 0.000000e+00 : f32
      %broadcast_in_dim3A_31 = vector.broadcast %broadcast_in_dim3A : f32 to vector<16xf32>
      %scan3A = arith.constant 0 : i32
      %scan3A_32 = arith.constant 16 : i32
      %scan3A_33 = arith.addi %scan3A, %scan3A_32 : i32
      %scan3A_34 = arith.constant 1 : i32
      %scan3A_35 = scf.for %scan3A_104 = %scan3A to %scan3A_33 step %scan3A_34 iter_args(%scan3A_105 = %broadcast_in_dim3A_31) -> (vector<16xf32>)  : i32 {
        %mul3A_106 = arith.constant 256 : i32
        %mul3A_107 = arith.muli %scan3A_104, %mul3A_106 : i32
        %add3A_108 = arith.constant 0 : i32
        %add3A_109 = arith.addi %mul3A_107, %add3A_108 : i32
        %get3A = arith.index_cast %add3A_109 : i32 to index
        %get3A_110 = tpu.vector_load %arg5[%get3A] {strides = array<i32>} : memref<8192xf32, #tpu.memory_space<vmem>>, vector<16xf32>,
        %get3A_111 = vector.shape_cast %get3A_110 : vector<16xf32> to vector<16xf32>
        %add3A_112 = arith.addf %scan3A_105, %get3A_111 : vector<16xf32>
        %add3A_113 = arith.constant 16 : i32
        %add3A_114 = arith.addi %mul3A_107, %add3A_113 : i32
        %get3A_115 = arith.index_cast %add3A_114 : i32 to index
        %get3A_116 = tpu.vector_load %arg5[%get3A_115] {strides = array<i32>} : memref<8192xf32, #tpu.memory_space<vmem>>, vector<16xf32>,
        %get3A_117 = vector.shape_cast %get3A_116 : vector<16xf32> to vector<16xf32>
        %add3A_118 = arith.addf %add3A_112, %get3A_117 : vector<16xf32>
        %add3A_119 = arith.constant 32 : i32
        %add3A_120 = arith.addi %mul3A_107, %add3A_119 : i32
        %get3A_121 = arith.index_cast %add3A_120 : i32 to index
        %get3A_122 = tpu.vector_load %arg5[%get3A_121] {strides = array<i32>} : memref<8192xf32, #tpu.memory_space<vmem>>, vector<16xf32>,
        %get3A_123 = vector.shape_cast %get3A_122 : vector<16xf32> to vector<16xf32>
        %add3A_124 = arith.addf %add3A_118, %get3A_123 : vector<16xf32>
        %add3A_125 = arith.constant 48 : i32
        %add3A_126 = arith.addi %mul3A_107, %add3A_125 : i32
        %get3A_127 = arith.index_cast %add3A_126 : i32 to index
        %get3A_128 = tpu.vector_load %arg5[%get3A_127] {strides = array<i32>} : memref<8192xf32, #tpu.memory_space<vmem>>, vector<16xf32>,
        %get3A_129 = vector.shape_cast %get3A_128 : vector<16xf32> to vector<16xf32>
        %add3A_130 = arith.addf %add3A_124, %get3A_129 : vector<16xf32>
        %add3A_131 = arith.constant 64 : i32
        %add3A_132 = arith.addi %mul3A_107, %add3A_131 : i32
        %get3A_133 = arith.index_cast %add3A_132 : i32 to index
        %get3A_134 = tpu.vector_load %arg5[%get3A_133] {strides = array<i32>} : memref<8192xf32, #tpu.memory_space<vmem>>, vector<16xf32>,
        %get3A_135 = vector.shape_cast %get3A_134 : vector<16xf32> to vector<16xf32>
        %add3A_136 = arith.addf %add3A_130, %get3A_135 : vector<16xf32>
        %add3A_137 = arith.constant 80 : i32
        %add3A_138 = arith.addi %mul3A_107, %add3A_137 : i32
        %get3A_139 = arith.index_cast %add3A_138 : i32 to index
        %get3A_140 = tpu.vector_load %arg5[%get3A_139] {strides = array<i32>} : memref<8192xf32, #tpu.memory_space<vmem>>, vector<16xf32>,
        %get3A_141 = vector.shape_cast %get3A_140 : vector<16xf32> to vector<16xf32>
        %add3A_142 = arith.addf %add3A_136, %get3A_141 : vector<16xf32>
        %add3A_143 = arith.constant 96 : i32
        %add3A_144 = arith.addi %mul3A_107, %add3A_143 : i32
        %get3A_145 = arith.index_cast %add3A_144 : i32 to index
        %get3A_146 = tpu.vector_load %arg5[%get3A_145] {strides = array<i32>} : memref<8192xf32, #tpu.memory_space<vmem>>, vector<16xf32>,
        %get3A_147 = vector.shape_cast %get3A_146 : vector<16xf32> to vector<16xf32>
        %add3A_148 = arith.addf %add3A_142, %get3A_147 : vector<16xf32>
        %add3A_149 = arith.constant 112 : i32
        %add3A_150 = arith.addi %mul3A_107, %add3A_149 : i32
        %get3A_151 = arith.index_cast %add3A_150 : i32 to index
        %get3A_152 = tpu.vector_load %arg5[%get3A_151] {strides = array<i32>} : memref<8192xf32, #tpu.memory_space<vmem>>, vector<16xf32>,
        %get3A_153 = vector.shape_cast %get3A_152 : vector<16xf32> to vector<16xf32>
        %add3A_154 = arith.addf %add3A_148, %get3A_153 : vector<16xf32>
        %add3A_155 = arith.constant 128 : i32
        %add3A_156 = arith.addi %mul3A_107, %add3A_155 : i32
        %get3A_157 = arith.index_cast %add3A_156 : i32 to index
        %get3A_158 = tpu.vector_load %arg5[%get3A_157] {strides = array<i32>} : memref<8192xf32, #tpu.memory_space<vmem>>, vector<16xf32>,
        %get3A_159 = vector.shape_cast %get3A_158 : vector<16xf32> to vector<16xf32>
        %add3A_160 = arith.addf %add3A_154, %get3A_159 : vector<16xf32>
        %add3A_161 = arith.constant 144 : i32
        %add3A_162 = arith.addi %mul3A_107, %add3A_161 : i32
        %get3A_163 = arith.index_cast %add3A_162 : i32 to index
        %get3A_164 = tpu.vector_load %arg5[%get3A_163] {strides = array<i32>} : memref<8192xf32, #tpu.memory_space<vmem>>, vector<16xf32>,
        %get3A_165 = vector.shape_cast %get3A_164 : vector<16xf32> to vector<16xf32>
        %add3A_166 = arith.addf %add3A_160, %get3A_165 : vector<16xf32>
        %add3A_167 = arith.constant 160 : i32
        %add3A_168 = arith.addi %mul3A_107, %add3A_167 : i32
        %get3A_169 = arith.index_cast %add3A_168 : i32 to index
        %get3A_170 = tpu.vector_load %arg5[%get3A_169] {strides = array<i32>} : memref<8192xf32, #tpu.memory_space<vmem>>, vector<16xf32>,
        %get3A_171 = vector.shape_cast %get3A_170 : vector<16xf32> to vector<16xf32>
        %add3A_172 = arith.addf %add3A_166, %get3A_171 : vector<16xf32>
        %add3A_173 = arith.constant 176 : i32
        %add3A_174 = arith.addi %mul3A_107, %add3A_173 : i32
        %get3A_175 = arith.index_cast %add3A_174 : i32 to index
        %get3A_176 = tpu.vector_load %arg5[%get3A_175] {strides = array<i32>} : memref<8192xf32, #tpu.memory_space<vmem>>, vector<16xf32>,
        %get3A_177 = vector.shape_cast %get3A_176 : vector<16xf32> to vector<16xf32>
        %add3A_178 = arith.addf %add3A_172, %get3A_177 : vector<16xf32>
        %add3A_179 = arith.constant 192 : i32
        %add3A_180 = arith.addi %mul3A_107, %add3A_179 : i32
        %get3A_181 = arith.index_cast %add3A_180 : i32 to index
        %get3A_182 = tpu.vector_load %arg5[%get3A_181] {strides = array<i32>} : memref<8192xf32, #tpu.memory_space<vmem>>, vector<16xf32>,
        %get3A_183 = vector.shape_cast %get3A_182 : vector<16xf32> to vector<16xf32>
        %add3A_184 = arith.addf %add3A_178, %get3A_183 : vector<16xf32>
        %add3A_185 = arith.constant 208 : i32
        %add3A_186 = arith.addi %mul3A_107, %add3A_185 : i32
        %get3A_187 = arith.index_cast %add3A_186 : i32 to index
        %get3A_188 = tpu.vector_load %arg5[%get3A_187] {strides = array<i32>} : memref<8192xf32, #tpu.memory_space<vmem>>, vector<16xf32>,
        %get3A_189 = vector.shape_cast %get3A_188 : vector<16xf32> to vector<16xf32>
        %add3A_190 = arith.addf %add3A_184, %get3A_189 : vector<16xf32>
        %add3A_191 = arith.constant 224 : i32
        %add3A_192 = arith.addi %mul3A_107, %add3A_191 : i32
        %get3A_193 = arith.index_cast %add3A_192 : i32 to index
        %get3A_194 = tpu.vector_load %arg5[%get3A_193] {strides = array<i32>} : memref<8192xf32, #tpu.memory_space<vmem>>, vector<16xf32>,
        %get3A_195 = vector.shape_cast %get3A_194 : vector<16xf32> to vector<16xf32>
        %add3A_196 = arith.addf %add3A_190, %get3A_195 : vector<16xf32>
        %add3A_197 = arith.constant 240 : i32
        %add3A_198 = arith.addi %mul3A_107, %add3A_197 : i32
        %get3A_199 = arith.index_cast %add3A_198 : i32 to index
        %get3A_200 = tpu.vector_load %arg5[%get3A_199] {strides = array<i32>} : memref<8192xf32, #tpu.memory_space<vmem>>, vector<16xf32>,
        %get3A_201 = vector.shape_cast %get3A_200 : vector<16xf32> to vector<16xf32>
        %add3A_202 = arith.addf %add3A_196, %get3A_201 : vector<16xf32>
        scf.yield %add3A_202 : vector<16xf32>
      }
      %scan3A_36 = arith.constant 16 : i32
      %dma_wait3A_37 = arith.constant 4096 : i32
      %dma_wait3A_38 = tpu.memref_slice %arg5[%dma_wait3A_37] : memref<8192xf32, #tpu.memory_space<vmem>> -> memref<4096xf32, #tpu.memory_space<vmem>>
      %dma_wait3A_39 = arith.constant 4096 : i32
      %dma_wait3A_40 = tpu.memref_slice %arg3[%add3A, %dma_wait3A_39] : memref<4x8192xf32, #tpu.memory_space<hbm>> -> memref<1x4096xf32, #tpu.memory_space<hbm>>
      %dma_wait3A_41 = tpu.memref_squeeze %dma_wait3A_40 : memref<1x4096xf32, #tpu.memory_space<hbm>> -> memref<4096xf32, #tpu.memory_space<hbm>>
      %dma_wait3A_42 = arith.constant 4096 : i32
      %dma_wait3A_43 = tpu.memref_slice %arg5[%dma_wait3A_42] : memref<8192xf32, #tpu.memory_space<vmem>> -> memref<4096xf32, #tpu.memory_space<vmem>>
      %dma_wait3A_44 = arith.constant 4096 : i32
      %dma_wait3A_45 = tpu.memref_slice %arg3[%add3A, %dma_wait3A_44] : memref<4x8192xf32, #tpu.memory_space<hbm>> -> memref<1x4096xf32, #tpu.memory_space<hbm>>
      %dma_wait3A_46 = tpu.memref_squeeze %dma_wait3A_45 : memref<1x4096xf32, #tpu.memory_space<hbm>> -> memref<4096xf32, #tpu.memory_space<hbm>>
      tpu.wait_dma2 semaphore(%arg8 : memref<!tpu.dma_semaphore, #tpu.memory_space<semaphore_mem>>) src(%dma_wait3A_46 : memref<4096xf32, #tpu.memory_space<hbm>>) dst(%dma_wait3A_43 : memref<4096xf32, #tpu.memory_space<vmem>>)
      %scan3A_47 = arith.constant 0 : i32
      %scan3A_48 = arith.constant 16 : i32
      %scan3A_49 = arith.addi %scan3A_47, %scan3A_48 : i32
      %scan3A_50 = arith.constant 1 : i32
      %scan3A_51 = scf.for %scan3A_104 = %scan3A_47 to %scan3A_49 step %scan3A_50 iter_args(%scan3A_105 = %scan3A_35) -> (vector<16xf32>)  : i32 {
        %mul3A_106 = arith.constant 256 : i32
        %mul3A_107 = arith.muli %scan3A_104, %mul3A_106 : i32
        %add3A_108 = arith.constant 4096 : i32
        %add3A_109 = arith.addi %add3A_108, %mul3A_107 : i32
        %add3A_110 = arith.constant 0 : i32
        %add3A_111 = arith.addi %add3A_109, %add3A_110 : i32
        %get3A = arith.index_cast %add3A_111 : i32 to index
        %get3A_112 = tpu.vector_load %arg5[%get3A] {strides = array<i32>} : memref<8192xf32, #tpu.memory_space<vmem>>, vector<16xf32>,
        %get3A_113 = vector.shape_cast %get3A_112 : vector<16xf32> to vector<16xf32>
        %add3A_114 = arith.addf %scan3A_105, %get3A_113 : vector<16xf32>
        %add3A_115 = arith.constant 16 : i32
        %add3A_116 = arith.addi %add3A_109, %add3A_115 : i32
        %get3A_117 = arith.index_cast %add3A_116 : i32 to index
        %get3A_118 = tpu.vector_load %arg5[%get3A_117] {strides = array<i32>} : memref<8192xf32, #tpu.memory_space<vmem>>, vector<16xf32>,
        %get3A_119 = vector.shape_cast %get3A_118 : vector<16xf32> to vector<16xf32>
        %add3A_120 = arith.addf %add3A_114, %get3A_119 : vector<16xf32>
        %add3A_121 = arith.constant 32 : i32
        %add3A_122 = arith.addi %add3A_109, %add3A_121 : i32
        %get3A_123 = arith.index_cast %add3A_122 : i32 to index
        %get3A_124 = tpu.vector_load %arg5[%get3A_123] {strides = array<i32>} : memref<8192xf32, #tpu.memory_space<vmem>>, vector<16xf32>,
        %get3A_125 = vector.shape_cast %get3A_124 : vector<16xf32> to vector<16xf32>
        %add3A_126 = arith.addf %add3A_120, %get3A_125 : vector<16xf32>
        %add3A_127 = arith.constant 48 : i32
        %add3A_128 = arith.addi %add3A_109, %add3A_127 : i32
        %get3A_129 = arith.index_cast %add3A_128 : i32 to index
        %get3A_130 = tpu.vector_load %arg5[%get3A_129] {strides = array<i32>} : memref<8192xf32, #tpu.memory_space<vmem>>, vector<16xf32>,
        %get3A_131 = vector.shape_cast %get3A_130 : vector<16xf32> to vector<16xf32>
        %add3A_132 = arith.addf %add3A_126, %get3A_131 : vector<16xf32>
        %add3A_133 = arith.constant 64 : i32
        %add3A_134 = arith.addi %add3A_109, %add3A_133 : i32
        %get3A_135 = arith.index_cast %add3A_134 : i32 to index
        %get3A_136 = tpu.vector_load %arg5[%get3A_135] {strides = array<i32>} : memref<8192xf32, #tpu.memory_space<vmem>>, vector<16xf32>,
        %get3A_137 = vector.shape_cast %get3A_136 : vector<16xf32> to vector<16xf32>
        %add3A_138 = arith.addf %add3A_132, %get3A_137 : vector<16xf32>
        %add3A_139 = arith.constant 80 : i32
        %add3A_140 = arith.addi %add3A_109, %add3A_139 : i32
        %get3A_141 = arith.index_cast %add3A_140 : i32 to index
        %get3A_142 = tpu.vector_load %arg5[%get3A_141] {strides = array<i32>} : memref<8192xf32, #tpu.memory_space<vmem>>, vector<16xf32>,
        %get3A_143 = vector.shape_cast %get3A_142 : vector<16xf32> to vector<16xf32>
        %add3A_144 = arith.addf %add3A_138, %get3A_143 : vector<16xf32>
        %add3A_145 = arith.constant 96 : i32
        %add3A_146 = arith.addi %add3A_109, %add3A_145 : i32
        %get3A_147 = arith.index_cast %add3A_146 : i32 to index
        %get3A_148 = tpu.vector_load %arg5[%get3A_147] {strides = array<i32>} : memref<8192xf32, #tpu.memory_space<vmem>>, vector<16xf32>,
        %get3A_149 = vector.shape_cast %get3A_148 : vector<16xf32> to vector<16xf32>
        %add3A_150 = arith.addf %add3A_144, %get3A_149 : vector<16xf32>
        %add3A_151 = arith.constant 112 : i32
        %add3A_152 = arith.addi %add3A_109, %add3A_151 : i32
        %get3A_153 = arith.index_cast %add3A_152 : i32 to index
        %get3A_154 = tpu.vector_load %arg5[%get3A_153] {strides = array<i32>} : memref<8192xf32, #tpu.memory_space<vmem>>, vector<16xf32>,
        %get3A_155 = vector.shape_cast %get3A_154 : vector<16xf32> to vector<16xf32>
        %add3A_156 = arith.addf %add3A_150, %get3A_155 : vector<16xf32>
        %add3A_157 = arith.constant 128 : i32
        %add3A_158 = arith.addi %add3A_109, %add3A_157 : i32
        %get3A_159 = arith.index_cast %add3A_158 : i32 to index
        %get3A_160 = tpu.vector_load %arg5[%get3A_159] {strides = array<i32>} : memref<8192xf32, #tpu.memory_space<vmem>>, vector<16xf32>,
        %get3A_161 = vector.shape_cast %get3A_160 : vector<16xf32> to vector<16xf32>
        %add3A_162 = arith.addf %add3A_156, %get3A_161 : vector<16xf32>
        %add3A_163 = arith.constant 144 : i32
        %add3A_164 = arith.addi %add3A_109, %add3A_163 : i32
        %get3A_165 = arith.index_cast %add3A_164 : i32 to index
        %get3A_166 = tpu.vector_load %arg5[%get3A_165] {strides = array<i32>} : memref<8192xf32, #tpu.memory_space<vmem>>, vector<16xf32>,
        %get3A_167 = vector.shape_cast %get3A_166 : vector<16xf32> to vector<16xf32>
        %add3A_168 = arith.addf %add3A_162, %get3A_167 : vector<16xf32>
        %add3A_169 = arith.constant 160 : i32
        %add3A_170 = arith.addi %add3A_109, %add3A_169 : i32
        %get3A_171 = arith.index_cast %add3A_170 : i32 to index
        %get3A_172 = tpu.vector_load %arg5[%get3A_171] {strides = array<i32>} : memref<8192xf32, #tpu.memory_space<vmem>>, vector<16xf32>,
        %get3A_173 = vector.shape_cast %get3A_172 : vector<16xf32> to vector<16xf32>
        %add3A_174 = arith.addf %add3A_168, %get3A_173 : vector<16xf32>
        %add3A_175 = arith.constant 176 : i32
        %add3A_176 = arith.addi %add3A_109, %add3A_175 : i32
        %get3A_177 = arith.index_cast %add3A_176 : i32 to index
        %get3A_178 = tpu.vector_load %arg5[%get3A_177] {strides = array<i32>} : memref<8192xf32, #tpu.memory_space<vmem>>, vector<16xf32>,
        %get3A_179 = vector.shape_cast %get3A_178 : vector<16xf32> to vector<16xf32>
        %add3A_180 = arith.addf %add3A_174, %get3A_179 : vector<16xf32>
        %add3A_181 = arith.constant 192 : i32
        %add3A_182 = arith.addi %add3A_109, %add3A_181 : i32
        %get3A_183 = arith.index_cast %add3A_182 : i32 to index
        %get3A_184 = tpu.vector_load %arg5[%get3A_183] {strides = array<i32>} : memref<8192xf32, #tpu.memory_space<vmem>>, vector<16xf32>,
        %get3A_185 = vector.shape_cast %get3A_184 : vector<16xf32> to vector<16xf32>
        %add3A_186 = arith.addf %add3A_180, %get3A_185 : vector<16xf32>
        %add3A_187 = arith.constant 208 : i32
        %add3A_188 = arith.addi %add3A_109, %add3A_187 : i32
        %get3A_189 = arith.index_cast %add3A_188 : i32 to index
        %get3A_190 = tpu.vector_load %arg5[%get3A_189] {strides = array<i32>} : memref<8192xf32, #tpu.memory_space<vmem>>, vector<16xf32>,
        %get3A_191 = vector.shape_cast %get3A_190 : vector<16xf32> to vector<16xf32>
        %add3A_192 = arith.addf %add3A_186, %get3A_191 : vector<16xf32>
        %add3A_193 = arith.constant 224 : i32
        %add3A_194 = arith.addi %add3A_109, %add3A_193 : i32
        %get3A_195 = arith.index_cast %add3A_194 : i32 to index
        %get3A_196 = tpu.vector_load %arg5[%get3A_195] {strides = array<i32>} : memref<8192xf32, #tpu.memory_space<vmem>>, vector<16xf32>,
        %get3A_197 = vector.shape_cast %get3A_196 : vector<16xf32> to vector<16xf32>
        %add3A_198 = arith.addf %add3A_192, %get3A_197 : vector<16xf32>
        %add3A_199 = arith.constant 240 : i32
        %add3A_200 = arith.addi %add3A_109, %add3A_199 : i32
        %get3A_201 = arith.index_cast %add3A_200 : i32 to index
        %get3A_202 = tpu.vector_load %arg5[%get3A_201] {strides = array<i32>} : memref<8192xf32, #tpu.memory_space<vmem>>, vector<16xf32>,
        %get3A_203 = vector.shape_cast %get3A_202 : vector<16xf32> to vector<16xf32>
        %add3A_204 = arith.addf %add3A_198, %get3A_203 : vector<16xf32>
        scf.yield %add3A_204 : vector<16xf32>
      }
      %scan3A_52 = arith.constant 16 : i32
      %convert_element_type3A_53 = arith.fptosi %scan3A_51 : vector<16xf32> to vector<16xi32>
      %slice3A = vector.extract_strided_slice %convert_element_type3A_53 {offsets = [0], sizes = [1], strides = [1]} : vector<16xi32> to vector<1xi32>
      %squeeze3A = vector.extract %slice3A[0] : i32 from vector<1xi32>
      %slice3A_54 = vector.extract_strided_slice %convert_element_type3A_53 {offsets = [1], sizes = [1], strides = [1]} : vector<16xi32> to vector<1xi32>
      %squeeze3A_55 = vector.extract %slice3A_54[0] : i32 from vector<1xi32>
      %slice3A_56 = vector.extract_strided_slice %convert_element_type3A_53 {offsets = [2], sizes = [1], strides = [1]} : vector<16xi32> to vector<1xi32>
      %squeeze3A_57 = vector.extract %slice3A_56[0] : i32 from vector<1xi32>
      %slice3A_58 = vector.extract_strided_slice %convert_element_type3A_53 {offsets = [3], sizes = [1], strides = [1]} : vector<16xi32> to vector<1xi32>
      %squeeze3A_59 = vector.extract %slice3A_58[0] : i32 from vector<1xi32>
      %slice3A_60 = vector.extract_strided_slice %convert_element_type3A_53 {offsets = [4], sizes = [1], strides = [1]} : vector<16xi32> to vector<1xi32>
      %squeeze3A_61 = vector.extract %slice3A_60[0] : i32 from vector<1xi32>
      %slice3A_62 = vector.extract_strided_slice %convert_element_type3A_53 {offsets = [5], sizes = [1], strides = [1]} : vector<16xi32> to vector<1xi32>
      %squeeze3A_63 = vector.extract %slice3A_62[0] : i32 from vector<1xi32>
      %slice3A_64 = vector.extract_strided_slice %convert_element_type3A_53 {offsets = [6], sizes = [1], strides = [1]} : vector<16xi32> to vector<1xi32>
      %squeeze3A_65 = vector.extract %slice3A_64[0] : i32 from vector<1xi32>
      %slice3A_66 = vector.extract_strided_slice %convert_element_type3A_53 {offsets = [7], sizes = [1], strides = [1]} : vector<16xi32> to vector<1xi32>
      %squeeze3A_67 = vector.extract %slice3A_66[0] : i32 from vector<1xi32>
      %slice3A_68 = vector.extract_strided_slice %convert_element_type3A_53 {offsets = [8], sizes = [1], strides = [1]} : vector<16xi32> to vector<1xi32>
      %squeeze3A_69 = vector.extract %slice3A_68[0] : i32 from vector<1xi32>
      %slice3A_70 = vector.extract_strided_slice %convert_element_type3A_53 {offsets = [9], sizes = [1], strides = [1]} : vector<16xi32> to vector<1xi32>
      %squeeze3A_71 = vector.extract %slice3A_70[0] : i32 from vector<1xi32>
      %slice3A_72 = vector.extract_strided_slice %convert_element_type3A_53 {offsets = [10], sizes = [1], strides = [1]} : vector<16xi32> to vector<1xi32>
      %squeeze3A_73 = vector.extract %slice3A_72[0] : i32 from vector<1xi32>
      %slice3A_74 = vector.extract_strided_slice %convert_element_type3A_53 {offsets = [11], sizes = [1], strides = [1]} : vector<16xi32> to vector<1xi32>
      %squeeze3A_75 = vector.extract %slice3A_74[0] : i32 from vector<1xi32>
      %slice3A_76 = vector.extract_strided_slice %convert_element_type3A_53 {offsets = [12], sizes = [1], strides = [1]} : vector<16xi32> to vector<1xi32>
      %squeeze3A_77 = vector.extract %slice3A_76[0] : i32 from vector<1xi32>
      %slice3A_78 = vector.extract_strided_slice %convert_element_type3A_53 {offsets = [13], sizes = [1], strides = [1]} : vector<16xi32> to vector<1xi32>
      %squeeze3A_79 = vector.extract %slice3A_78[0] : i32 from vector<1xi32>
      %slice3A_80 = vector.extract_strided_slice %convert_element_type3A_53 {offsets = [14], sizes = [1], strides = [1]} : vector<16xi32> to vector<1xi32>
      %squeeze3A_81 = vector.extract %slice3A_80[0] : i32 from vector<1xi32>
      %slice3A_82 = vector.extract_strided_slice %convert_element_type3A_53 {offsets = [15], sizes = [1], strides = [1]} : vector<16xi32> to vector<1xi32>
      %squeeze3A_83 = vector.extract %slice3A_82[0] : i32 from vector<1xi32>
      %add3A_84 = arith.addi %squeeze3A, %squeeze3A_55 : i32
      %add3A_85 = arith.addi %squeeze3A_57, %squeeze3A_59 : i32
      %add3A_86 = arith.addi %squeeze3A_61, %squeeze3A_63 : i32
      %add3A_87 = arith.addi %squeeze3A_65, %squeeze3A_67 : i32
      %add3A_88 = arith.addi %squeeze3A_69, %squeeze3A_71 : i32
      %add3A_89 = arith.addi %squeeze3A_73, %squeeze3A_75 : i32
      %add3A_90 = arith.addi %squeeze3A_77, %squeeze3A_79 : i32
      %add3A_91 = arith.addi %squeeze3A_81, %squeeze3A_83 : i32
      %add3A_92 = arith.addi %add3A_84, %add3A_85 : i32
      %add3A_93 = arith.addi %add3A_86, %add3A_87 : i32
      %add3A_94 = arith.addi %add3A_88, %add3A_89 : i32
      %add3A_95 = arith.addi %add3A_90, %add3A_91 : i32
      %add3A_96 = arith.addi %add3A_92, %add3A_93 : i32
      %add3A_97 = arith.addi %add3A_94, %add3A_95 : i32
      %add3A_98 = arith.addi %add3A_96, %add3A_97 : i32
      %sub3A = arith.constant 1 : i32
      %sub3A_99 = arith.subi %add3A_98, %sub3A : i32
      %max3A = arith.constant 0 : i32
      %max3A_100 = arith.maxsi %sub3A_99, %max3A : i32
      %mul3A_101 = arith.constant 8192 : i32
      %mul3A_102 = arith.muli %add3A, %mul3A_101 : i32
      %add3A_103 = arith.addi %mul3A_102, %max3A_100 : i32
      "tpu.region"() ({
        %run_scoped3A = tpu.sem_alloc : memref<!tpu.dma_semaphore, #tpu.memory_space<semaphore_mem>>
        %dma_start3A_104 = arith.constant 0 : i32
        %dma_start3A_105 = tpu.memref_slice %arg2[%add3A_103, %dma_start3A_104] : memref<32768x2048xf32, #tpu.memory_space<hbm>> -> memref<1x2048xf32, #tpu.memory_space<hbm>>
        %dma_start3A_106 = arith.constant 0 : i32
        %dma_start3A_107 = tpu.memref_slice %arg2[%add3A_103, %dma_start3A_106] : memref<32768x2048xf32, #tpu.memory_space<hbm>> -> memref<1x2048xf32, #tpu.memory_space<hbm>>
        tpu.enqueue_dma source(%dma_start3A_107 : memref<1x2048xf32, #tpu.memory_space<hbm>>) target(%arg6 : memref<1x2048xf32, #tpu.memory_space<vmem>>) target_semaphore(%run_scoped3A : memref<!tpu.dma_semaphore, #tpu.memory_space<semaphore_mem>>)
        %dma_wait3A_108 = arith.constant 0 : i32
        %dma_wait3A_109 = tpu.memref_slice %arg2[%add3A_103, %dma_wait3A_108] : memref<32768x2048xf32, #tpu.memory_space<hbm>> -> memref<1x2048xf32, #tpu.memory_space<hbm>>
        %dma_wait3A_110 = arith.constant 0 : i32
        %dma_wait3A_111 = tpu.memref_slice %arg2[%add3A_103, %dma_wait3A_110] : memref<32768x2048xf32, #tpu.memory_space<hbm>> -> memref<1x2048xf32, #tpu.memory_space<hbm>>
        tpu.wait_dma2 semaphore(%run_scoped3A : memref<!tpu.dma_semaphore, #tpu.memory_space<semaphore_mem>>) src(%dma_wait3A_111 : memref<1x2048xf32, #tpu.memory_space<hbm>>) dst(%arg6 : memref<1x2048xf32, #tpu.memory_space<vmem>>)
        tpu.yield
      }) : () -> ()
      "tpu.region"() ({
        %run_scoped3A = tpu.sem_alloc : memref<!tpu.dma_semaphore, #tpu.memory_space<semaphore_mem>>
        %dma_start3A_104 = arith.constant 0 : i32
        %dma_start3A_105 = tpu.memref_slice %arg4[%add3A, %dma_start3A_104] : memref<4x2048xf32, #tpu.memory_space<hbm>> -> memref<1x2048xf32, #tpu.memory_space<hbm>>
        %dma_start3A_106 = arith.constant 0 : i32
        %dma_start3A_107 = tpu.memref_slice %arg4[%add3A, %dma_start3A_106] : memref<4x2048xf32, #tpu.memory_space<hbm>> -> memref<1x2048xf32, #tpu.memory_space<hbm>>
        tpu.enqueue_dma source(%arg6 : memref<1x2048xf32, #tpu.memory_space<vmem>>) target(%dma_start3A_107 : memref<1x2048xf32, #tpu.memory_space<hbm>>) target_semaphore(%run_scoped3A : memref<!tpu.dma_semaphore, #tpu.memory_space<semaphore_mem>>)
        %dma_wait3A_108 = arith.constant 0 : i32
        %dma_wait3A_109 = tpu.memref_slice %arg4[%add3A, %dma_wait3A_108] : memref<4x2048xf32, #tpu.memory_space<hbm>> -> memref<1x2048xf32, #tpu.memory_space<hbm>>
        %dma_wait3A_110 = arith.constant 0 : i32
        %dma_wait3A_111 = tpu.memref_slice %arg4[%add3A, %dma_wait3A_110] : memref<4x2048xf32, #tpu.memory_space<hbm>> -> memref<1x2048xf32, #tpu.memory_space<hbm>>
        tpu.wait_dma2 semaphore(%run_scoped3A : memref<!tpu.dma_semaphore, #tpu.memory_space<semaphore_mem>>) src(%arg6 : memref<1x2048xf32, #tpu.memory_space<vmem>>) dst(%dma_wait3A_111 : memref<1x2048xf32, #tpu.memory_space<hbm>>)
        tpu.yield
      }) : () -> ()
    } else {
    }
    return
  }
}

</mosaic_0001>

<sc_bundles>
// kernel: kernel.3.cloned.1.call-start
scs
__scs_entry_jumppad:
0x0: {  	(pc) =	sbr.rel $0x88, $3  }
0x1: {  	(tag) =	ssettag $0x0;
	lr =	simm.s32 $0x1  }
0x2: {  	[smem:$0x3F9F] =	sst lr;
	_ =	strace $0xD0000000  }
0x3: {  	_ = 	snop  }
0x4: {  	_ = 	snop  }
0x5: {  	_ = 	snop  }
0x6: {  	_ = 	snop  }
0x7: {  	_ = 	snop  }
__scs_overlays_trampoline_lowered:
0x8: {  	[smem:$0x3FAE] =	sst s0  }
0x9: {  	[smem:$0x3FAF] =	sst s1  }
0xa: {  	[smem:$0x3FB0] =	sst s2  }
0xb: {  	[smem:$0x3FB1] =	sst s3  }
0xc: {  	[smem:$0x3FB2] =	sst s4  }
0xd: {  	[smem:$0x3FB3] =	sst s5  }
0xe: {  	[smem:$0x3FB4] =	sst s6  }
0xf: {  	[smem:$0x3FB5] =	sst s7  }
0x10: {  	[smem:$0x3FB6] =	sst s8  }
0x11: {  	[smem:$0x3FB7] =	sst s9;
	s0 =	simm.s32 @!p0 $0x0  }
0x12: {  	s1 =	sld [smem:$0x3F9D];
	s0 =	simm.s32 @p0 $0x1  }
0x13: {  	[smem:$0x3FB8] =	sst s0;
	s0 =	simm.s32 @!p1 $0x0  }
0x14: {  	s2 =	sld [smem:$0x3F9C];
	s0 =	simm.s32 @p1 $0x1  }
0x15: {  	[smem:$0x3FB9] =	sst s0;
	s0 =	simm.s32 @!p2 $0x0  }
0x16: {  	s3 =	sld [smem:$0x3FDB];
	s0 =	simm.s32 @p2 $0x1  }
0x17: {  	s4 =	simm.s32 $0x1BF5;
	[smem:$0x3FBB] =	sst s0  }
0x18: {  	s0 =	sld [smem:$0x3F9E];
	_ =	swait.ge [sflag:s4], $0x0  }
0x19: {  	s7 =	sld [smem:$0x3F9F]  }
0x1a: {  	s8 =	sadd.s32 $0xFFFFE003, lr  }
0x1b: {  	s9 =	sadd.s32 $0xFFFFFEF7, lr;
	s5 =	simm.s32 $0xFFFFFFFF;
	p2 =	slt.u32 s8, $0xFFFFF086  }
0x1c: {  	p1 =	slt.u32 s9, $0xF7A;
	s5 =	simm.s32 @!p2 $0x0  }
0x1d: {  	s5 =	simm.s32 @p1 $0x1;
	p0 =	seq.s32 s7, s2  }
0x1e: {  	s7 =	smul.u32 @!p0 $0xF7A, s2;
	p2 =	seq.s32 @!p0 s5, $0x0  }
0x1f: {  	s9 =	smul.u32 $0xF7A, s1;
	s8 =	simm.s32 @!p0 $0x1BF5;
	p2 =	por !p2, p0  }
0x20: {  	[sflag:s8] =	ssyncset.s32 @!p0 $0xFFFFF086;
	s6 =	sadd.s32 @!p0 s3, s7;
	s7 =	simm.s32 @!p0 $0x108  }
0x21: {  	s3 =	sadd.s32 s3, s9;
	s6 =	sadd.s32 @!p0 $0x88, s6;
	s7 =	simm.s32 @p2 $0x1082  }
0x22: {  	[simem:s7], [sflag:s8] =	dma.local @!p0 [hbm:s6], $0xF7A  }
0x23: {  	s9 =	sor.u32 $0xD0000000, s2;
	s6 =	simm.s32 $0x108;
	_ =	swait.ge @!p0 [sflag:s8], $0x0  }
0x24: {  	s3 =	sadd.s32 $0x88, s3;
	s6 =	simm.s32 @!p1 $0x1082;
	[sflag:s4] =	ssyncset.s32 $0xFFFFF086  }
0x25: {  	[simem:s6], [sflag:s4] =	dma.local [hbm:s3], $0xF7A  }
0x26: {  	[smem:$0x3F9F] =	sst s1;
	(tag) =	ssettag s2;
	_ =	strace s9  }
0x27: {  	s1 =	sld [smem:$0x3FAF]  }
0x28: {  	s2 =	sld [smem:$0x3FB0]  }
0x29: {  	s4 =	sld [smem:$0x3FB2]  }
0x2a: {  	p0 =	seq.s32 s5, $0x0;
	s5 =	sld [smem:$0x3FB3]  }
0x2b: {  	s6 =	sld [smem:$0x3FB4]  }
0x2c: {  	s7 =	sld [smem:$0x3FB5]  }
0x2d: {  	s3 =	simm.s32 $0x108;
	s8 =	sld [smem:$0x3FB6]  }
0x2e: {  	s3 =	simm.s32 @!p0 $0x1082;
	s9 =	sld [smem:$0x3FB7]  }
0x2f: {  	lr =	sadd.s32 s0, s3;
	s0 =	sld [smem:$0x3FAE]  }
0x30: {  	s3 =	sld [smem:$0x3FB1]  }
0x31: {  	[smem:$0x3FBA] =	sst s10  }
0x32: {  	s10 =	sld [smem:$0x3FB8];
	_ =	sdelay $0x3  }
0x33: {  	p0 =	seq.s32 s10, $0x1;
	s10 =	sld [smem:$0x3FBA];
	_ =	sdelay $0x3  }
0x34: {  	[smem:$0x3FBA] =	sst s10  }
0x35: {  	s10 =	sld [smem:$0x3FB9];
	_ =	sdelay $0x3  }
0x36: {  	p1 =	seq.s32 s10, $0x1;
	s10 =	sld [smem:$0x3FBA];
	_ =	sdelay $0x3  }
0x37: {  	[smem:$0x3FBA] =	sst s10  }
0x38: {  	s10 =	sld [smem:$0x3FBB]  }
0x39: {  	_ = 	snop;
	(pc) =	sbr.ind lr, $3  }
0x3a: {  	_ = 	snop  }
0x3b: {  	_ = 	snop  }
0x3c: {  	p2 =	seq.s32 s10, $0x1;
	s10 =	sld [smem:$0x3FBA]  }
0x3d: {  	_ =	shalt  }
0x3e: {  	_ =	shalt  }
0x3f: {  	_ =	shalt  }
0x40: {  	_ =	shalt  }
0x41: {  	_ =	shalt  }
0x42: {  	_ =	shalt  }
0x43: {  	_ =	shalt  }
0x44: {  	_ =	shalt  }
0x45: {  	_ =	shalt  }
0x46: {  	_ =	shalt  }
0x47: {  	_ =	shalt  }
0x48: {  	_ =	shalt  }
0x49: {  	_ =	shalt  }
0x4a: {  	_ =	shalt  }
0x4b: {  	_ =	shalt  }
0x4c: {  	_ =	shalt  }
0x4d: {  	_ =	shalt  }
0x4e: {  	_ =	shalt  }
0x4f: {  	_ =	shalt  }
0x50: {  	_ =	shalt  }
0x51: {  	_ =	shalt  }
0x52: {  	_ =	shalt  }
0x53: {  	_ =	shalt  }
0x54: {  	_ =	shalt  }
0x55: {  	_ =	shalt  }
0x56: {  	_ =	shalt  }
0x57: {  	_ =	shalt  }
0x58: {  	_ =	shalt  }
0x59: {  	_ =	shalt  }
0x5a: {  	_ =	shalt  }
0x5b: {  	_ =	shalt  }
0x5c: {  	_ =	shalt  }
0x5d: {  	_ =	shalt  }
0x5e: {  	_ =	shalt  }
0x5f: {  	_ =	shalt  }
0x60: {  	_ =	shalt  }
0x61: {  	_ =	shalt  }
0x62: {  	_ =	shalt  }
0x63: {  	_ =	shalt  }
0x64: {  	_ =	shalt  }
0x65: {  	_ =	shalt  }
0x66: {  	_ =	shalt  }
0x67: {  	_ =	shalt  }
0x68: {  	_ =	shalt  }
0x69: {  	_ =	shalt  }
0x6a: {  	_ =	shalt  }
0x6b: {  	_ =	shalt  }
0x6c: {  	_ =	shalt  }
0x6d: {  	_ =	shalt  }
0x6e: {  	_ =	shalt  }
0x6f: {  	_ =	shalt  }
0x70: {  	_ =	shalt  }
0x71: {  	_ =	shalt  }
0x72: {  	_ =	shalt  }
0x73: {  	_ =	shalt  }
0x74: {  	_ =	shalt  }
0x75: {  	_ =	shalt  }
0x76: {  	_ =	shalt  }
0x77: {  	_ =	shalt  }
0x78: {  	_ =	shalt  }
0x79: {  	_ =	shalt  }
0x7a: {  	_ =	shalt  }
0x7b: {  	_ =	shalt  }
0x7c: {  	_ =	shalt  }
0x7d: {  	_ =	shalt  }
0x7e: {  	_ =	shalt  }
0x7f: {  	_ =	shalt  }
0x80: {  	_ =	shalt  }
0x81: {  	_ =	shalt  }
0x82: {  	_ =	shalt  }
0x83: {  	_ =	shalt  }
0x84: {  	_ =	shalt  }
0x85: {  	_ =	shalt  }
0x86: {  	_ =	shalt  }
0x87: {  	_ =	shalt  }
.Lfunc_end0:
.L_simem_size_0:
called_computation_lowered:
.L_overlay_start_0:
0x88: {  	s0 =	sld [smem:$0x3FD9]  }
0x89: {  	s1 =	sld [smem:$0x3FFE];
	_ =	sdelay $0x3  }
0x8a: {  	s0 =	sadd.s32 s1, s0  }
0x8b: {  	[smem:$0x3FC6] =	sst s0  }
0x8c: {  	_ = 	snop  }
0x8d: {  	s0 =	sld [smem:$0x3FC9]  }
0x8e: {  	s17 =	sld [smem:$0x3FC8]  }
0x8f: {  	s2 =	sld [smem:$0x3FD0];
	(tm) =	ssettm $0x1  }
0x90: {  	s3 =	sld [smem:$0x3FFB];
	_ =	sdelay $0x3  }
0x91: {  	_ =	strace s3  }
0x92: {  	s3 =	sld [smem:$0x3FFC];
	_ =	sdelay $0x3  }
0x93: {  	_ =	strace s3  }
0x94: {  	s3 =	sld [smem:$0x3FFD];
	_ =	sdelay $0x3  }
0x95: {  	_ =	strace s3  }
0x96: {  	_ =	strace $0x8FFFFFFF  }
0x97: {  	s18 =	sld [smem:$0x3FDB];
	_ =	sdelay $0x1  }
0x98: {  	s4 =	simm.s32 $_scs_section_size  }
0x99: {  	s5 =	simm.s32 $_size__tile_overlayer_lowered;
	s6 =	simm.s32 $_tile_overlayer_lowered  }
0x9a: {  	s21 =	simm.s32 $0x1BFF;
	s20 =	sshll.u32 s6, $0x1;
	s3 =	sadd.s32 s4, s18  }
0x9b: {  	s7 =	simm.s32 $0x0;
	s19 =	sshll.u32 s5, $0x1;
	s5 =	sadd.s32 s20, s3  }
0x9c: {  	[timem:s7], [sflag:s21] =	dma.local [hbm:s5], s19  }
0x9d: {  	_ =	swait.ge [sflag:s21], s19  }
0x9e: {  	s4 =	ssub.s32 $0x0, s19;
	[sflag:s21] =	ssyncset.done $0x0  }
0x9f: {  	[sflag:s21] =	ssyncadd.s32 s4;
	_ =	sdelay $0x1  }
0xa0: {  	s22 =	simm.s32 $0x1B8B  }
0xa1: {  	_ =	swait.ge [sflag:s22], $0x1  }
0xa2: {  	[sflag:s22] =	ssyncset.done $0x0  }
0xa3: {  	s23 =	simm.s32 $0x1B8E;
	[sflag:s22] =	ssyncadd.s32 $0xFFFFFFFF  }
0xa4: {  	s24 =	simm.s32 $execute0_lowered;
	[smem:$0x3FD2] =	sst s23  }
0xa5: {  	s4 =	sshll.u32 s24, $0x1;
	_ =	strace $0x80000046;
	[dreg:$0x1] =	wrdreg $0xFFFFFFFF  }
0xa6: {  	s25 =	simm.s32 $_size_execute0_lowered;
	s3 =	sadd.s32 s3, s4;
	[dreg:$0x0] =	wrdreg $0x0  }
0xa7: {  	s4 =	sshll.u32 s25, $0x1;
	[dreg:$0x2] =	wrdreg s3  }
0xa8: {  	[dreg:$0x3] =	wrdreg s4  }
0xa9: {  	[dreg:$0x4] =	wrdreg $0xC0  }
0xaa: {  	_ =	task [dreg:s7], $0x5FFFF  }
0xab: {  	[dreg:$0x1] =	wrdreg $0xFFFFFFFF  }
0xac: {  	[dreg:$0x0] =	wrdreg $0x60  }
0xad: {  	[dreg:$0x2] =	wrdreg s0  }
0xae: {  	[dreg:$0x3] =	wrdreg s17  }
0xaf: {  	[dreg:$0x4] =	wrdreg s2  }
0xb0: {  	[dreg:$0x5] =	wrdreg $0x9  }
0xb1: {  	_ =	task.clear_ibuf [dreg:s7], $0x6FFFF;
	_ =	strace $0x90000046  }
0xb2: {  	s26 =	simm.s32 $0x9;
	_ =	strace $0x80000048  }
0xb3: {  	_ =	swait.ge [sflag:s26], $0x1  }
0xb4: {  	[sflag:s26] =	ssyncadd.s32 $0xFFFFFFFF  }
0xb5: {  	_ =	strace $0x90000048  }
0xb6: {  	_ =	sfence  }
0xb7: {  	s28 =	sld [smem:$0x0];
	_ =	sdelay $0x1  }
0xb8: {  	s29 =	srdreg.scid  }
0xb9: {  	s30 =	sshll.u32 s29, $0xD;
	s31 =	sshrl.u32 s29, $0x2  }
0xba: {  	s1 =	sand.u32 $0x1, s29;
	s2 =	sand.u32 $0x4000, s30;
	s0 =	sadd.s32 s31, s28  }
0xbb: {  	s1 =	sor.u32 s2, s1;
	s0 =	sshll.u32 s0, $0x11  }
0xbc: {  	s0 =	sor.u32 s0, s1  }
0xbd: {  	s0 =	sadd.s32 $0x8F2B, s0  }
0xbe: {  	[sflag:s0] =	ssyncadd.remote.s32 $0x1  }
0xbf: {  	_ =	sfence.sel $0xFFFF  }
0xc0: {  	[dreg:$0x0] =	wrdreg $0xFFFFFFFF;
	(pc) =	sbr.abs _section_cstart, $3  }
0xc1: {  	[dreg:$0x1] =	wrdreg $0xFFFFFFFF  }
0xc2: {  	_ =	task.clear_ibuf [dreg:s7], $0x2FFFF;
	_ =	strace $0x9FFFFFFF  }
0xc3: {  	(tm) =	ssettm $0x7FFFFFFF  }
tec
execute0_lowered:
.L_overlay_start_1:
0x0: {  	(tag) =	ssettag $0x1  }
0x1: {  	s1 =	stileid.u32  }
0x2: {  	p0 =	sgt.u32 s1, $0x3  }
.Ltmp0:
0x3: {  	s2 =	rddreg [dreg:$0x0];
	(pc) =	sbr.rel @p0 .LBB2_6-.Ltmp0, $4  }
0x4: {  	s4 =	rddreg [dreg:$0x1]  }
0x5: {  	s3 =	rddreg [dreg:$0x2];
	s5 =	simm.s32 $0x0  }
0x6: {  	[smem:$0x7FF] =	sst s5  }
0x7: {  	s0 =	rddreg [dreg:$0x3];
	_ =	strace $0x80000047  }
0x8: {  	s6 =	sshll.u32 s1, $0x4  }
0x9: {  	s7 =	simm.s32 $0x80;
	s8 =	simm.s32 $0x200;
	s4 =	sadd.s32 s4, s6  }
0xa: {  	[tilespmem:s5], [sflag:$0x1] =	stream.strided.gather [hbm4b:s4+s7], $0x1000, s8, s7, $0x38;
	[tilespmem:$0x2800] =	vst v63  }
0xb: {  	s29 =	simm.s32 $0x1000;
	s30 =	simm.s32 $0x1;
	s4 =	sadd.s32 $0x800, s4  }
0xc: {  	[tilespmem:s29], [sflag:$0x2] =	stream.strided.gather [hbm4b:s4+s7], $0x1000, s8, s7, $0x38;
	[tilespmem:$0x2800] =	vst v63  }
0xd: {  	_ =	swait.ge [sflag:s30], $0x1000  }
0xe: {  	[sflag:s30] =	ssyncset.done $0x0  }
0xf: {  	s31 =	simm.s32 $0x0;
	[sflag:s30] =	ssyncadd.s32 $0xFFFFF000  }
0x10: {  	v0 =	vld [tilespmem:s31+$0x0];
	_ =	sdelay $0x1  }
0x11: {  	v1 =	vld [tilespmem:s31+$0x10];
	_ =	sdelay $0x1  }
0x12: {  	v2 =	vimm.f32 $0.0e+00;
	v3 =	vld [tilespmem:s31+$0x20]  }
0x13: {  	v0 =	vadd.f32 v0, v2  }
0x14: {  	v2 =	vld [tilespmem:s31+$0x30]  }
0x15: {  	v0 =	vadd.f32 v1, v0  }
0x16: {  	v1 =	vld [tilespmem:s31+$0x40]  }
0x17: {  	v0 =	vadd.f32 v3, v0  }
0x18: {  	v3 =	vld [tilespmem:s31+$0x50]  }
0x19: {  	v0 =	vadd.f32 v2, v0  }
0x1a: {  	v2 =	vld [tilespmem:s31+$0x60]  }
0x1b: {  	v0 =	vadd.f32 v1, v0  }
0x1c: {  	v1 =	vld [tilespmem:s31+$0x70]  }
0x1d: {  	v0 =	vadd.f32 v3, v0  }
0x1e: {  	v3 =	vld [tilespmem:s31+$0x80]  }
0x1f: {  	v0 =	vadd.f32 v2, v0  }
0x20: {  	v2 =	vld [tilespmem:s31+$0x90]  }
0x21: {  	v0 =	vadd.f32 v1, v0  }
0x22: {  	v1 =	vld [tilespmem:s31+$0xA0]  }
0x23: {  	v0 =	vadd.f32 v3, v0  }
0x24: {  	v3 =	vld [tilespmem:s31+$0xB0]  }
0x25: {  	v0 =	vadd.f32 v2, v0  }
0x26: {  	v2 =	vld [tilespmem:s31+$0xC0]  }
0x27: {  	v0 =	vadd.f32 v1, v0;
	_ =	sdelay $0x1  }
0x28: {  	v4 =	vld [tilespmem:s31+$0xD0];
	v0 =	vadd.f32 v3, v0;
	_ =	sdelay $0x1  }
0x29: {  	v2 =	vadd.f32 v2, v0;
	v0 =	vld [tilespmem:s31+$0xE0];
	_ =	sdelay $0x1  }
0x2a: {  	s3 =	sadd.s32 s3, s6;
	v1 =	vld [tilespmem:s31+$0xF0]  }
0x2b: {  	s6 =	simm.s32 $0x800;
	s5 =	simm.s32 $0x100;
	s4 =	sshll.u32 s1, $0x18;
	v2 =	vadd.f32 v4, v2  }
.LBB2_2:
0x2c: {  	p0 =	sne.s32 s6, $0x3C00;
	v3 =	vld [tilespmem:s5+$0x0]  }
0x2d: {  	v0 =	vadd.f32 v0, v2  }
0x2e: {  	v2 =	vld [tilespmem:s5+$0x10]  }
0x2f: {  	v0 =	vadd.f32 v1, v0  }
0x30: {  	v1 =	vld [tilespmem:s5+$0x20]  }
0x31: {  	v0 =	vadd.f32 v3, v0  }
0x32: {  	v3 =	vld [tilespmem:s5+$0x30]  }
0x33: {  	v0 =	vadd.f32 v2, v0  }
0x34: {  	v2 =	vld [tilespmem:s5+$0x40]  }
0x35: {  	v0 =	vadd.f32 v1, v0  }
0x36: {  	v1 =	vld [tilespmem:s5+$0x50]  }
0x37: {  	v0 =	vadd.f32 v3, v0  }
0x38: {  	v3 =	vld [tilespmem:s5+$0x60]  }
0x39: {  	v0 =	vadd.f32 v2, v0  }
0x3a: {  	v2 =	vld [tilespmem:s5+$0x70]  }
0x3b: {  	v0 =	vadd.f32 v1, v0  }
0x3c: {  	v1 =	vld [tilespmem:s5+$0x80]  }
0x3d: {  	v0 =	vadd.f32 v3, v0  }
0x3e: {  	v3 =	vld [tilespmem:s5+$0x90]  }
0x3f: {  	v0 =	vadd.f32 v2, v0  }
0x40: {  	v2 =	vld [tilespmem:s5+$0xA0]  }
0x41: {  	v0 =	vadd.f32 v1, v0  }
0x42: {  	v1 =	vld [tilespmem:s5+$0xB0]  }
0x43: {  	v0 =	vadd.f32 v3, v0  }
0x44: {  	v3 =	vld [tilespmem:s5+$0xC0]  }
0x45: {  	v0 =	vadd.f32 v2, v0  }
0x46: {  	v2 =	vld [tilespmem:s5+$0xD0]  }
.Ltmp1:
0x47: {  	v1 =	vadd.f32 v1, v0;
	(pc) =	sbr.rel @p0 .LBB2_2-.Ltmp1, $4  }
0x48: {  	v0 =	vld [tilespmem:s5+$0xE0]  }
0x49: {  	v3 =	vadd.f32 v3, v1  }
0x4a: {  	v1 =	vld [tilespmem:s5+$0xF0]  }
0x4b: {  	s5 =	sshra.s32 s6, $0x2;
	s6 =	sadd.s32 $0x400, s6;
	v2 =	vadd.f32 v2, v3  }
0x4c: {  	v3 =	vld [tilespmem:s5+$0x0]  }
0x4d: {  	v0 =	vadd.f32 v0, v2  }
0x4e: {  	v2 =	vld [tilespmem:s5+$0x10]  }
0x4f: {  	v0 =	vadd.f32 v1, v0  }
0x50: {  	v1 =	vld [tilespmem:s5+$0x20]  }
0x51: {  	v0 =	vadd.f32 v3, v0  }
0x52: {  	v3 =	vld [tilespmem:s5+$0x30]  }
0x53: {  	v0 =	vadd.f32 v2, v0  }
0x54: {  	v2 =	vld [tilespmem:s5+$0x40]  }
0x55: {  	v0 =	vadd.f32 v1, v0  }
0x56: {  	v1 =	vld [tilespmem:s5+$0x50]  }
0x57: {  	v0 =	vadd.f32 v3, v0  }
0x58: {  	v3 =	vld [tilespmem:s5+$0x60]  }
0x59: {  	v0 =	vadd.f32 v2, v0  }
0x5a: {  	v2 =	vld [tilespmem:s5+$0x70]  }
0x5b: {  	v0 =	vadd.f32 v1, v0  }
0x5c: {  	v1 =	vld [tilespmem:s5+$0x80]  }
0x5d: {  	v0 =	vadd.f32 v3, v0  }
0x5e: {  	v3 =	vld [tilespmem:s5+$0x90]  }
0x5f: {  	v0 =	vadd.f32 v2, v0  }
0x60: {  	v2 =	vld [tilespmem:s5+$0xA0]  }
0x61: {  	v0 =	vadd.f32 v1, v0  }
0x62: {  	v1 =	vld [tilespmem:s5+$0xB0]  }
0x63: {  	v0 =	vadd.f32 v3, v0  }
0x64: {  	v3 =	vld [tilespmem:s5+$0xC0]  }
0x65: {  	v0 =	vadd.f32 v2, v0  }
0x66: {  	v2 =	vld [tilespmem:s5+$0xD0]  }
0x67: {  	v0 =	vadd.f32 v1, v0  }
0x68: {  	s30 =	simm.s32 $0x2;
	v1 =	vld [tilespmem:s5+$0xE0]  }
0x69: {  	v4 =	vld [tilespmem:s5+$0xF0];
	_ =	swait.ge [sflag:s30], $0x1000;
	v0 =	vadd.f32 v3, v0  }
0x6a: {  	[sflag:s30] =	ssyncset.done $0x0  }
0x6b: {  	s31 =	simm.s32 $0x0;
	[sflag:s30] =	ssyncadd.s32 $0xFFFFF000;
	v0 =	vadd.f32 v2, v0  }
0x6c: {  	v2 =	vld [tilespmem:s31+$0x1000]  }
0x6d: {  	v0 =	vadd.f32 v1, v0  }
0x6e: {  	v1 =	vld [tilespmem:s31+$0x1010]  }
0x6f: {  	v0 =	vadd.f32 v4, v0  }
0x70: {  	v3 =	vld [tilespmem:s31+$0x1020]  }
0x71: {  	v0 =	vadd.f32 v2, v0  }
0x72: {  	v2 =	vld [tilespmem:s31+$0x1030]  }
0x73: {  	v0 =	vadd.f32 v1, v0  }
0x74: {  	v1 =	vld [tilespmem:s31+$0x1040]  }
0x75: {  	v0 =	vadd.f32 v3, v0  }
0x76: {  	v3 =	vld [tilespmem:s31+$0x1050]  }
0x77: {  	v0 =	vadd.f32 v2, v0  }
0x78: {  	v2 =	vld [tilespmem:s31+$0x1060]  }
0x79: {  	v0 =	vadd.f32 v1, v0  }
0x7a: {  	v1 =	vld [tilespmem:s31+$0x1070]  }
0x7b: {  	v0 =	vadd.f32 v3, v0  }
0x7c: {  	v3 =	vld [tilespmem:s31+$0x1080]  }
0x7d: {  	v0 =	vadd.f32 v2, v0  }
0x7e: {  	v2 =	vld [tilespmem:s31+$0x1090]  }
0x7f: {  	v0 =	vadd.f32 v1, v0  }
0x80: {  	v1 =	vld [tilespmem:s31+$0x10A0]  }
0x81: {  	v0 =	vadd.f32 v3, v0  }
0x82: {  	v3 =	vld [tilespmem:s31+$0x10B0]  }
0x83: {  	v0 =	vadd.f32 v2, v0  }
0x84: {  	v2 =	vld [tilespmem:s31+$0x10C0]  }
0x85: {  	v0 =	vadd.f32 v1, v0  }
0x86: {  	v63 =	vld [tilespmem:s31+$0x10D0]  }
0x87: {  	v0 =	vadd.f32 v3, v0  }
0x88: {  	v1 =	vld [tilespmem:s31+$0x10E0]  }
0x89: {  	v2 =	vadd.f32 v2, v0  }
0x8a: {  	v0 =	vld [tilespmem:s31+$0x10F0]  }
0x8b: {  	s6 =	simm.s32 $0x800;
	s5 =	simm.s32 $0x100;
	v2 =	vadd.f32 v63, v2  }
.LBB2_4:
0x8c: {  	p0 =	sne.s32 s6, $0x3C00;
	v3 =	vld [tilespmem:s5+$0x1000]  }
0x8d: {  	v1 =	vadd.f32 v1, v2  }
0x8e: {  	v2 =	vld [tilespmem:s5+$0x1010]  }
0x8f: {  	v0 =	vadd.f32 v0, v1  }
0x90: {  	v1 =	vld [tilespmem:s5+$0x1020]  }
0x91: {  	v0 =	vadd.f32 v3, v0  }
0x92: {  	v3 =	vld [tilespmem:s5+$0x1030]  }
0x93: {  	v0 =	vadd.f32 v2, v0  }
0x94: {  	v2 =	vld [tilespmem:s5+$0x1040]  }
0x95: {  	v0 =	vadd.f32 v1, v0  }
0x96: {  	v1 =	vld [tilespmem:s5+$0x1050]  }
0x97: {  	v0 =	vadd.f32 v3, v0  }
0x98: {  	v3 =	vld [tilespmem:s5+$0x1060]  }
0x99: {  	v0 =	vadd.f32 v2, v0  }
0x9a: {  	v2 =	vld [tilespmem:s5+$0x1070]  }
0x9b: {  	v0 =	vadd.f32 v1, v0  }
0x9c: {  	v1 =	vld [tilespmem:s5+$0x1080]  }
0x9d: {  	v0 =	vadd.f32 v3, v0  }
0x9e: {  	v3 =	vld [tilespmem:s5+$0x1090]  }
0x9f: {  	v0 =	vadd.f32 v2, v0  }
0xa0: {  	v2 =	vld [tilespmem:s5+$0x10A0]  }
0xa1: {  	v0 =	vadd.f32 v1, v0  }
0xa2: {  	v1 =	vld [tilespmem:s5+$0x10B0]  }
0xa3: {  	v0 =	vadd.f32 v3, v0  }
0xa4: {  	v3 =	vld [tilespmem:s5+$0x10C0]  }
0xa5: {  	v0 =	vadd.f32 v2, v0  }
0xa6: {  	v2 =	vld [tilespmem:s5+$0x10D0]  }
.Ltmp2:
0xa7: {  	v0 =	vadd.f32 v1, v0;
	(pc) =	sbr.rel @p0 .LBB2_4-.Ltmp2, $4  }
0xa8: {  	v1 =	vld [tilespmem:s5+$0x10E0]  }
0xa9: {  	v3 =	vadd.f32 v3, v0  }
0xaa: {  	v0 =	vld [tilespmem:s5+$0x10F0]  }
0xab: {  	s5 =	sshra.s32 s6, $0x2;
	s6 =	sadd.s32 $0x400, s6;
	v2 =	vadd.f32 v2, v3  }
0xac: {  	v3 =	vld [tilespmem:s5+$0x1000]  }
0xad: {  	v1 =	vadd.f32 v1, v2  }
0xae: {  	v49 =	vld [tilespmem:s5+$0x1010]  }
0xaf: {  	v0 =	vadd.f32 v0, v1  }
0xb0: {  	v50 =	vld [tilespmem:s5+$0x1020]  }
0xb1: {  	v0 =	vadd.f32 v3, v0  }
0xb2: {  	v51 =	vld [tilespmem:s5+$0x1030]  }
0xb3: {  	v0 =	vadd.f32 v49, v0  }
0xb4: {  	v52 =	vld [tilespmem:s5+$0x1040]  }
0xb5: {  	v0 =	vadd.f32 v50, v0  }
0xb6: {  	v53 =	vld [tilespmem:s5+$0x1050]  }
0xb7: {  	v0 =	vadd.f32 v51, v0  }
0xb8: {  	v54 =	vld [tilespmem:s5+$0x1060]  }
0xb9: {  	v0 =	vadd.f32 v52, v0  }
0xba: {  	v55 =	vld [tilespmem:s5+$0x1070]  }
0xbb: {  	v0 =	vadd.f32 v53, v0  }
0xbc: {  	v56 =	vld [tilespmem:s5+$0x1080]  }
0xbd: {  	v0 =	vadd.f32 v54, v0  }
0xbe: {  	v57 =	vld [tilespmem:s5+$0x1090]  }
0xbf: {  	v0 =	vadd.f32 v55, v0  }
0xc0: {  	v58 =	vld [tilespmem:s5+$0x10A0]  }
0xc1: {  	v0 =	vadd.f32 v56, v0  }
0xc2: {  	v59 =	vld [tilespmem:s5+$0x10B0]  }
0xc3: {  	v0 =	vadd.f32 v57, v0  }
0xc4: {  	v60 =	vld [tilespmem:s5+$0x10C0]  }
0xc5: {  	v0 =	vadd.f32 v58, v0  }
0xc6: {  	v61 =	vld [tilespmem:s5+$0x10D0]  }
0xc7: {  	v0 =	vadd.f32 v59, v0  }
0xc8: {  	v62 =	vld [tilespmem:s5+$0x10E0]  }
0xc9: {  	v0 =	vadd.f32 v60, v0  }
0xca: {  	v63 =	vld [tilespmem:s5+$0x10F0]  }
0xcb: {  	v0 =	vadd.f32 v61, v0;
	_ =	sdelay $0x1  }
0xcc: {  	v0 =	vadd.f32 v62, v0;
	_ =	sdelay $0x1  }
0xcd: {  	v0 =	vadd.f32 v63, v0;
	_ =	sdelay $0x1  }
0xce: {  	v0 =	vtrunc.f32 v0  }
0xcf: {  	v0 =	vcvt.f32.s32 v0;
	_ =	sdelay $0x1  }
0xd0: {  	(v2sf) =	vpush v0, $0x0  }
0xd1: {  	(v2sf) =	vpush v0, $0x1  }
0xd2: {  	(v2sf) =	vpush v0, $0x2  }
0xd3: {  	(v2sf) =	vpush v0, $0x3  }
0xd4: {  	(v2sf) =	vpush v0, $0x4  }
0xd5: {  	(v2sf) =	vpush v0, $0x5  }
0xd6: {  	(v2sf) =	vpush v0, $0x6  }
0xd7: {  	(v2sf) =	vpush v0, $0x7  }
0xd8: {  	(v2sf) =	vpush v0, $0x8  }
0xd9: {  	(v2sf) =	vpush v0, $0x9  }
0xda: {  	(v2sf) =	vpush v0, $0xA  }
0xdb: {  	(v2sf) =	vpush v0, $0xB  }
0xdc: {  	(v2sf) =	vpush v0, $0xC  }
0xdd: {  	(v2sf) =	vpush v0, $0xD  }
0xde: {  	(v2sf) =	vpush v0, $0xE  }
0xdf: {  	s12 =	spop (v2sf);
	(v2sf) =	vpush v0, $0xF  }
0xe0: {  	s6 =	spop (v2sf)  }
0xe1: {  	s7 =	spop (v2sf)  }
0xe2: {  	s5 =	sadd.s32 s12, s6;
	s8 =	spop (v2sf)  }
0xe3: {  	s13 =	spop (v2sf);
	s5 =	sadd.s32 s8, s5  }
0xe4: {  	s14 =	spop (v2sf);
	s5 =	sadd.s32 s7, s5  }
0xe5: {  	s15 =	spop (v2sf);
	s5 =	sadd.s32 s14, s5  }
0xe6: {  	s16 =	spop (v2sf);
	s5 =	sadd.s32 s13, s5  }
0xe7: {  	s17 =	spop (v2sf);
	s5 =	sadd.s32 s16, s5  }
0xe8: {  	s18 =	spop (v2sf);
	s5 =	sadd.s32 s15, s5  }
0xe9: {  	s19 =	spop (v2sf);
	s5 =	sadd.s32 s18, s5  }
0xea: {  	s20 =	spop (v2sf);
	s5 =	sadd.s32 s17, s5  }
0xeb: {  	s21 =	spop (v2sf);
	s5 =	sadd.s32 s20, s5  }
0xec: {  	s22 =	spop (v2sf);
	s5 =	sadd.s32 s19, s5  }
0xed: {  	s23 =	spop (v2sf);
	s5 =	sadd.s32 s22, s5  }
0xee: {  	s24 =	spop (v2sf);
	s5 =	sadd.s32 s21, s5  }
0xef: {  	s5 =	sadd.s32 s24, s5  }
0xf0: {  	s5 =	sadd.s32 s23, s5  }
0xf1: {  	s5 =	sadd.s32 $0xFFFFFFFF, s5  }
0xf2: {  	p0 =	sgt.s32 s5, $0x0  }
0xf3: {  	s5 =	simm.s32 @!p0 $0x0  }
0xf4: {  	s25 =	sshll.u32 s5, $0xB  }
0xf5: {  	s5 =	sshll.u32 s5, $0x7;
	s4 =	sadd.s32 s4, s25  }
0xf6: {  	s5 =	sand.u32 $0x380, s5;
	s4 =	sand.u32 $0xFFFFC000, s4  }
0xf7: {  	s4 =	sor.u32 s5, s4  }
0xf8: {  	s26 =	simm.s32 $0x80;
	s28 =	simm.s32 $0x400;
	s4 =	sshrl.u32 s4, $0x3  }
0xf9: {  	s29 =	simm.s32 $0x2000;
	s30 =	simm.s32 $0x3;
	s2 =	sadd.s32 s2, s4  }
0xfa: {  	[tilespmem:s29], [sflag:$0x3] =	stream.strided.gather [hbm4b:s2+s26], $0x800, s28, s26, $0x38;
	[tilespmem:$0x2800] =	vst v63  }
0xfb: {  	_ =	swait.ge [sflag:s30], $0x800  }
0xfc: {  	[sflag:s30] =	ssyncset.done $0x0  }
0xfd: {  	s31 =	simm.s32 $0x200;
	[sflag:s30] =	ssyncadd.s32 $0xFFFFF800  }
0xfe: {  	[hbm4b:s3+s26] =	stream.strided.scatter [tilespmem:s29], [sflag:$0x3], $0x800, s31, s26, $0x38;
	[tilespmem:$0x2800] =	vst v63  }
0xff: {  	_ =	swait.ge [sflag:s30], $0x800  }
0x100: {  	[sflag:s30] =	ssyncset.done $0x0  }
0x101: {  	[sflag:s30] =	ssyncadd.s32 $0xFFFFF800  }
.LBB2_6:
0x102: {  	_ =	sfence.sel $0x180000  }
0x103: {  	[bflag:$0x0] =	sbarrier.arrive $0xFFFF  }
0x104: {  	p0 =	sne.s32 s1, $0x0;
	_ =	strace $0x90000047  }
0x105: {  	s0 =	sadd.s32 @!p0 $0x100000, s0;
	[bflag:$0x2] =	sbarrier.arrive $0xFFFF  }
0x106: {  	[sflag:s0] =	ssyncadd.tile.s32 @!p0 $0x1;
	_ =	shalt  }
.Lfunc_end2:
_tile_overlayer_lowered:
.L_overlay_start_2:
0x107: {  	(tag) =	ssettag $0x2  }
0x108: {  	s0 =	rddreg [dreg:$0x0];
	s2 =	stileid.u32  }
0x109: {  	s1 =	rddreg [dreg:$0x1];
	p0 =	sne.s32 s2, $0x0  }
0x10a: {  	s3 =	rddreg [dreg:$0x2];
	[bflag:$0x3] =	sbarrier.arrive $0xFFFF;
	s2 =	simm.s32 @!p0 $0x1C03  }
0x10b: {  	[timem:s3], [sflag:s2] =	dma.local @!p0 [hbm:s0], s1  }
0x10c: {  	s0 =	simm.s32 @!p0 $0x3  }
0x10d: {  	_ =	swait.ge @!p0 [sflag:s0], s1  }
0x10e: {  	s1 =	ssub.s32 @!p0 $0x0, s1;
	[sflag:s0] =	ssyncset.done @!p0 $0x0  }
0x10f: {  	[sflag:s0] =	ssyncadd.s32 @!p0 s1  }
0x110: {  	[bflag:$0x3] =	sbarrier.arrive $0xFFFF  }
0x111: {  	_ =	shalt  }

</sc_bundles>
